<compile_context>
chip_gen: v7x
topology: tpu7x:2x2x1
jax: 0.10.2.dev20260603
libtpu: 0.0.44.dev20260713+nightly
codegen_flags: <defaults>
</compile_context>

<pallas_src>
import functools

import jax
import jax.numpy as jnp
from jax import lax
from jax.experimental import pallas as pl
from jax.experimental.pallas import tpu as pltpu
from jax.experimental.pallas import tpu_sc as plsc

_SMOOTHING = 0.1
_IGNORE_INDEX = -100

_NW = 32
_L = 16


def _sc_body(pred_hbm, gidx_hbm, out_t_hbm, out_g_hbm,
             buf, idx_v, gv, ov, og, sem0, sem1, semg, semi,
             *, span, chunk, t_dim):
    nchunk = span // chunk
    c = lax.axis_index("c")
    s = lax.axis_index("s")
    wid = s * 2 + c
    base = wid * span

    pltpu.async_copy(gidx_hbm.at[wid], idx_v, semi).wait()
    gcp = pltpu.async_copy(pred_hbm.at[idx_v], gv, semg)

    cp0 = pltpu.async_copy(pred_hbm.at[pl.ds(base, chunk)], buf.at[0], sem0)
    cp1 = pltpu.async_copy(pred_hbm.at[pl.ds(base + chunk, chunk)],
                           buf.at[1], sem1)

    half = t_dim // 2

    def consume(bslot, acc0, acc1):
        def inner(i, accs):
            a0, a1 = accs
            off = i * t_dim
            v0 = bslot[pl.ds(off, _L)]
            v1 = bslot[pl.ds(off + half, _L)]
            return a0 + v0, a1 + v1
        return lax.fori_loop(0, chunk // t_dim, inner, (acc0, acc1))

    def outer(k, accs):
        a0, a1 = accs
        cp0.wait()
        a0, a1 = consume(buf.at[0], a0, a1)
        pltpu.async_copy(
            pred_hbm.at[pl.ds(base + (2 * k + 2) * chunk, chunk)],
            buf.at[0], sem0)
        cp1.wait()
        a0, a1 = consume(buf.at[1], a0, a1)
        pltpu.async_copy(
            pred_hbm.at[pl.ds(base + (2 * k + 3) * chunk, chunk)],
            buf.at[1], sem1)
        return a0, a1

    zero = jnp.zeros((_L,), jnp.float32)
    acc0, acc1 = lax.fori_loop(0, nchunk // 2 - 1, outer, (zero, zero))

    cp0.wait()
    acc0, acc1 = consume(buf.at[0], acc0, acc1)
    cp1.wait()
    acc0, acc1 = consume(buf.at[1], acc0, acc1)

    ov[0] = acc0
    ov[1] = acc1
    pltpu.sync_copy(ov, out_t_hbm.at[wid])

    gcp.wait()
    og[...] = gv[...]
    pltpu.sync_copy(og, out_g_hbm.at[wid])


def kernel(pred, target):
    B, C, T = pred.shape
    n_words = B * C * T
    span = n_words // _NW
    chunk = 16000
    assert span % (2 * chunk) == 0 and chunk % T == 0
    assert (C * T) % span == 0 or span % (C * T) == 0

    pred_flat = pred.reshape(n_words)

    tgt = target.astype(jnp.int32)
    mask = tgt != _IGNORE_INDEX
    safe_tgt = jnp.where(mask, tgt, 0)
    t_idx = jnp.arange(T, dtype=jnp.int32)[None, :]
    b_idx = jnp.arange(B, dtype=jnp.int32)[:, None]
    flat_idx = (b_idx * (C * T) + safe_tgt * T + t_idx).reshape(_NW, _L)

    mesh = plsc.VectorSubcoreMesh(core_axis_name="c", subcore_axis_name="s")
    body = functools.partial(_sc_body, span=span, chunk=chunk, t_dim=T)
    out_t, out_g = pl.kernel(
        body,
        mesh=mesh,
        out_type=[
            jax.ShapeDtypeStruct((_NW, 2, _L), jnp.float32),
            jax.ShapeDtypeStruct((_NW, _L), jnp.float32),
        ],
        scratch_types=[
            pltpu.VMEM((2, chunk), jnp.float32),
            pltpu.VMEM((_L,), jnp.int32),
            pltpu.VMEM((_L,), jnp.float32),
            pltpu.VMEM((2, _L), jnp.float32),
            pltpu.VMEM((_L,), jnp.float32),
            pltpu.SemaphoreType.DMA,
            pltpu.SemaphoreType.DMA,
            pltpu.SemaphoreType.DMA,
            pltpu.SemaphoreType.DMA,
        ],
    )(pred_flat, flat_idx)

    maskf = mask.astype(jnp.float32)
    mask_w = jnp.repeat(maskf, _NW // B, axis=0).reshape(_NW, 2, _L)
    tot = jnp.sum(out_t * mask_w)
    gth = jnp.sum(out_g * maskf.reshape(_NW, _L))

    fill = _SMOOTHING / (C - 1)
    conf = 1.0 - _SMOOTHING
    cnt = jnp.sum(mask)
    denom = jnp.maximum(cnt, 1).astype(pred.dtype)
    loss = -(fill * tot + (conf - fill) * gth) / denom
    return jnp.where(cnt > 0, loss, jnp.zeros((), dtype=pred.dtype))

# --- scband reference (transcript-rebuilt; emitter-appended) ---
"""Pipeline reference for scband-label-smoothing-loss-27865747817140 (READ-ONLY COPY).

The authoritative reference and input builder live on the scoring server;
editing this copy changes nothing except your own understanding.
"""

import jax, jax.numpy as jnp
import numpy as np

SMOOTHING = 0.1
IGNORE_INDEX = -100


def setup_inputs(seed: int = 0) -> dict:
    key = jax.random.key(seed)
    k1, k2 = jax.random.split(key)
    B, C, T = 16, 100000, 32
    pred = jax.nn.log_softmax(jax.random.normal(k1, (B, C, T), dtype=jnp.float32), axis=1)
    target = jax.random.randint(k2, (B, T), 0, C, dtype=jnp.int32)
    return {"pred": pred, "target": target}


def reference(pred, target):
    B, C, T = pred.shape
    # pred.transpose(1, 2).contiguous().view(-1, C)
    pred2 = jnp.transpose(pred, (0, 2, 1)).reshape(-1, C)
    tgt = target.reshape(-1)
    N = pred2.shape[0]
    mask = tgt != IGNORE_INDEX
    fill_val = SMOOTHING / (C - 1)
    # true_dist filled with smoothing/(C-1)
    true_dist = jnp.full((N, C), fill_val, dtype=pred2.dtype)
    rows = jnp.arange(N)
    safe_tgt = jnp.where(mask, tgt, 0).astype(jnp.int32)
    # scatter-overwrite: masked rows get (1 - smoothing) at target col;
    # unmasked rows write back the fill value (no-op), matching torch semantics
    vals = jnp.where(mask, 1.0 - SMOOTHING, fill_val).astype(pred2.dtype)
    true_dist = true_dist.at[rows, safe_tgt].set(vals)
    loss_per = -(true_dist * pred2).sum(axis=1)
    denom = jnp.maximum(mask.sum(), 1).astype(pred2.dtype)
    loss = jnp.where(mask, loss_per, 0.0).sum() / denom
    loss = jnp.where(mask.any(), loss, jnp.zeros((), dtype=pred2.dtype))
    return loss

if __name__ == "__main__":
    import jax
    _d = setup_inputs()
    print(jax.jit(kernel)(*tuple(_d.values())))

</pallas_src>

<mosaic_0001>
#map = affine_map<(d0, d1) -> (0)>
#map1 = affine_map<(d0, d1) -> (0, 0)>
#map2 = affine_map<(d0, d1) -> (0, 0, 0)>
module attributes {stable_mosaic.version = 14 : i64} {
  func.func @_sc_body(%arg0: i32, %arg1: i32, %arg2: memref<51200000xf32, #tpu.memory_space<hbm>>, %arg3: memref<32x16xi32, #tpu.memory_space<hbm>>, %arg4: memref<32x2x16xf32, #tpu.memory_space<hbm>>, %arg5: memref<32x16xf32, #tpu.memory_space<hbm>>, %arg6: memref<2x16000xf32, #tpu.memory_space<vmem>>, %arg7: memref<16xi32, #tpu.memory_space<vmem>>, %arg8: memref<16xf32, #tpu.memory_space<vmem>>, %arg9: memref<2x16xf32, #tpu.memory_space<vmem>>, %arg10: memref<16xf32, #tpu.memory_space<vmem>>, %arg11: memref<!tpu.dma_semaphore, #tpu.memory_space<semaphore_mem>>, %arg12: memref<!tpu.dma_semaphore, #tpu.memory_space<semaphore_mem>>, %arg13: memref<!tpu.dma_semaphore, #tpu.memory_space<semaphore_mem>>, %arg14: memref<!tpu.dma_semaphore, #tpu.memory_space<semaphore_mem>>) attributes {dimension_semantics = [#tpu.dimension_semantics<core_parallel>, #tpu.dimension_semantics<subcore_parallel>], iteration_bounds = array<i64: 2, 16>, scalar_prefetch = 0 : i64, scratch_operands = 9 : i64, tpu.core_type = #tpu.core_type<sc_vector_subcore>, window_params = [{transform_indices = #map}, {transform_indices = #map1}, {transform_indices = #map2}, {transform_indices = #map1}]} {
    %mul3A = arith.constant 2 : i32
    %mul3A_0 = arith.muli %arg1, %mul3A : i32
    %add3A = arith.addi %mul3A_0, %arg0 : i32
    %mul3A_1 = arith.constant 1600000 : i32
    %mul3A_2 = arith.muli %add3A, %mul3A_1 : i32
    %dma_start3A = arith.constant 0 : i32
    %dma_start3A_3 = tpu.memref_slice %arg3[%add3A, %dma_start3A] : memref<32x16xi32, #tpu.memory_space<hbm>> -> memref<1x16xi32, #tpu.memory_space<hbm>>
    %dma_start3A_4 = tpu.memref_squeeze %dma_start3A_3 : memref<1x16xi32, #tpu.memory_space<hbm>> -> memref<16xi32, #tpu.memory_space<hbm>>
    %dma_start3A_5 = arith.constant 0 : i32
    %dma_start3A_6 = tpu.memref_slice %arg3[%add3A, %dma_start3A_5] : memref<32x16xi32, #tpu.memory_space<hbm>> -> memref<1x16xi32, #tpu.memory_space<hbm>>
    %dma_start3A_7 = tpu.memref_squeeze %dma_start3A_6 : memref<1x16xi32, #tpu.memory_space<hbm>> -> memref<16xi32, #tpu.memory_space<hbm>>
    tpu.enqueue_dma source(%dma_start3A_7 : memref<16xi32, #tpu.memory_space<hbm>>) target(%arg7 : memref<16xi32, #tpu.memory_space<vmem>>) target_semaphore(%arg14 : memref<!tpu.dma_semaphore, #tpu.memory_space<semaphore_mem>>)
    %dma_wait3A = arith.constant 0 : i32
    %dma_wait3A_8 = tpu.memref_slice %arg3[%add3A, %dma_wait3A] : memref<32x16xi32, #tpu.memory_space<hbm>> -> memref<1x16xi32, #tpu.memory_space<hbm>>
    %dma_wait3A_9 = tpu.memref_squeeze %dma_wait3A_8 : memref<1x16xi32, #tpu.memory_space<hbm>> -> memref<16xi32, #tpu.memory_space<hbm>>
    %dma_wait3A_10 = arith.constant 0 : i32
    %dma_wait3A_11 = tpu.memref_slice %arg3[%add3A, %dma_wait3A_10] : memref<32x16xi32, #tpu.memory_space<hbm>> -> memref<1x16xi32, #tpu.memory_space<hbm>>
    %dma_wait3A_12 = tpu.memref_squeeze %dma_wait3A_11 : memref<1x16xi32, #tpu.memory_space<hbm>> -> memref<16xi32, #tpu.memory_space<hbm>>
    tpu.wait_dma2 semaphore(%arg14 : memref<!tpu.dma_semaphore, #tpu.memory_space<semaphore_mem>>) src(%dma_wait3A_12 : memref<16xi32, #tpu.memory_space<hbm>>) dst(%arg7 : memref<16xi32, #tpu.memory_space<vmem>>)
    %dma_start3A_13 = arith.constant 0 : i32
    %dma_start3A_14 = tpu.memref_slice %arg2[%dma_start3A_13] : memref<51200000xf32, #tpu.memory_space<hbm>> -> memref<51200000xf32, #tpu.memory_space<hbm>>
    tpu.enqueue_indirect_dma source(%dma_start3A_14 : memref<51200000xf32, #tpu.memory_space<hbm>>) target(%arg8 : memref<16xf32, #tpu.memory_space<vmem>>) offsets(%arg7 : memref<16xi32, #tpu.memory_space<vmem>>) semaphore(%arg13 : memref<!tpu.dma_semaphore, #tpu.memory_space<semaphore_mem>>)
    %dma_start3A_15 = arith.constant 0 : i32
    %dma_start3A_16 = arith.constant 0 : i32
    %dma_start3A_17 = tpu.memref_slice %arg6[%dma_start3A_15, %dma_start3A_16] : memref<2x16000xf32, #tpu.memory_space<vmem>> -> memref<1x16000xf32, #tpu.memory_space<vmem>>
    %dma_start3A_18 = tpu.memref_squeeze %dma_start3A_17 : memref<1x16000xf32, #tpu.memory_space<vmem>> -> memref<16000xf32, #tpu.memory_space<vmem>>
    %dma_start3A_19 = tpu.memref_slice %arg2[%mul3A_2] : memref<51200000xf32, #tpu.memory_space<hbm>> -> memref<16000xf32, #tpu.memory_space<hbm>>
    %dma_start3A_20 = arith.constant 0 : i32
    %dma_start3A_21 = tpu.memref_slice %arg6[%dma_start3A_15, %dma_start3A_20] : memref<2x16000xf32, #tpu.memory_space<vmem>> -> memref<1x16000xf32, #tpu.memory_space<vmem>>
    %dma_start3A_22 = tpu.memref_squeeze %dma_start3A_21 : memref<1x16000xf32, #tpu.memory_space<vmem>> -> memref<16000xf32, #tpu.memory_space<vmem>>
    %dma_start3A_23 = tpu.memref_slice %arg2[%mul3A_2] : memref<51200000xf32, #tpu.memory_space<hbm>> -> memref<16000xf32, #tpu.memory_space<hbm>>
    tpu.enqueue_dma source(%dma_start3A_23 : memref<16000xf32, #tpu.memory_space<hbm>>) target(%dma_start3A_22 : memref<16000xf32, #tpu.memory_space<vmem>>) target_semaphore(%arg11 : memref<!tpu.dma_semaphore, #tpu.memory_space<semaphore_mem>>)
    %add3A_24 = arith.constant 16000 : i32
    %add3A_25 = arith.addi %mul3A_2, %add3A_24 : i32
    %dma_start3A_26 = arith.constant 1 : i32
    %dma_start3A_27 = arith.constant 0 : i32
    %dma_start3A_28 = tpu.memref_slice %arg6[%dma_start3A_26, %dma_start3A_27] : memref<2x16000xf32, #tpu.memory_space<vmem>> -> memref<1x16000xf32, #tpu.memory_space<vmem>>
    %dma_start3A_29 = tpu.memref_squeeze %dma_start3A_28 : memref<1x16000xf32, #tpu.memory_space<vmem>> -> memref<16000xf32, #tpu.memory_space<vmem>>
    %dma_start3A_30 = tpu.memref_slice %arg2[%add3A_25] : memref<51200000xf32, #tpu.memory_space<hbm>> -> memref<16000xf32, #tpu.memory_space<hbm>>
    %dma_start3A_31 = arith.constant 0 : i32
    %dma_start3A_32 = tpu.memref_slice %arg6[%dma_start3A_26, %dma_start3A_31] : memref<2x16000xf32, #tpu.memory_space<vmem>> -> memref<1x16000xf32, #tpu.memory_space<vmem>>
    %dma_start3A_33 = tpu.memref_squeeze %dma_start3A_32 : memref<1x16000xf32, #tpu.memory_space<vmem>> -> memref<16000xf32, #tpu.memory_space<vmem>>
    %dma_start3A_34 = tpu.memref_slice %arg2[%add3A_25] : memref<51200000xf32, #tpu.memory_space<hbm>> -> memref<16000xf32, #tpu.memory_space<hbm>>
    tpu.enqueue_dma source(%dma_start3A_34 : memref<16000xf32, #tpu.memory_space<hbm>>) target(%dma_start3A_33 : memref<16000xf32, #tpu.memory_space<vmem>>) target_semaphore(%arg12 : memref<!tpu.dma_semaphore, #tpu.memory_space<semaphore_mem>>)
    %broadcast_in_dim3A = arith.constant 0.000000e+00 : f32
    %broadcast_in_dim3A_35 = vector.broadcast %broadcast_in_dim3A : f32 to vector<16xf32>
    %scan3A = arith.constant 0 : i32
    %scan3A_36 = arith.constant 1 : i32
    %scan3A_37 = arith.constant 0 : i32
    %scan3A_38 = arith.constant 49 : i32
    %scan3A_39 = arith.addi %scan3A_37, %scan3A_38 : i32
    %scan3A_40 = arith.constant 1 : i32
    %scan3A_41:2 = scf.for %scan3A_94 = %scan3A_37 to %scan3A_39 step %scan3A_40 iter_args(%scan3A_95 = %broadcast_in_dim3A_35, %scan3A_96 = %broadcast_in_dim3A_35) -> (vector<16xf32>, vector<16xf32>)  : i32 {
      %dma_wait3A_97 = arith.constant 0 : i32
      %dma_wait3A_98 = tpu.memref_slice %arg6[%scan3A, %dma_wait3A_97] : memref<2x16000xf32, #tpu.memory_space<vmem>> -> memref<1x16000xf32, #tpu.memory_space<vmem>>
      %dma_wait3A_99 = tpu.memref_squeeze %dma_wait3A_98 : memref<1x16000xf32, #tpu.memory_space<vmem>> -> memref<16000xf32, #tpu.memory_space<vmem>>
      %dma_wait3A_100 = tpu.memref_slice %arg2[%mul3A_2] : memref<51200000xf32, #tpu.memory_space<hbm>> -> memref<16000xf32, #tpu.memory_space<hbm>>
      %dma_wait3A_101 = arith.constant 0 : i32
      %dma_wait3A_102 = tpu.memref_slice %arg6[%scan3A, %dma_wait3A_101] : memref<2x16000xf32, #tpu.memory_space<vmem>> -> memref<1x16000xf32, #tpu.memory_space<vmem>>
      %dma_wait3A_103 = tpu.memref_squeeze %dma_wait3A_102 : memref<1x16000xf32, #tpu.memory_space<vmem>> -> memref<16000xf32, #tpu.memory_space<vmem>>
      %dma_wait3A_104 = tpu.memref_slice %arg2[%mul3A_2] : memref<51200000xf32, #tpu.memory_space<hbm>> -> memref<16000xf32, #tpu.memory_space<hbm>>
      tpu.wait_dma2 semaphore(%arg11 : memref<!tpu.dma_semaphore, #tpu.memory_space<semaphore_mem>>) src(%dma_wait3A_104 : memref<16000xf32, #tpu.memory_space<hbm>>) dst(%dma_wait3A_103 : memref<16000xf32, #tpu.memory_space<vmem>>)
      %scan3A_105 = arith.constant 0 : i32
      %scan3A_106 = arith.constant 0 : i32
      %scan3A_107 = arith.constant 500 : i32
      %scan3A_108 = arith.addi %scan3A_106, %scan3A_107 : i32
      %scan3A_109 = arith.constant 1 : i32
      %scan3A_110:2 = scf.for %scan3A_159 = %scan3A_106 to %scan3A_108 step %scan3A_109 iter_args(%scan3A_160 = %scan3A_95, %scan3A_161 = %scan3A_96) -> (vector<16xf32>, vector<16xf32>)  : i32 {
        %mul3A_162 = arith.constant 32 : i32
        %mul3A_163 = arith.muli %scan3A_159, %mul3A_162 : i32
        %get3A_164 = arith.constant 0 : i32
        %get3A_165 = tpu.memref_slice %arg6[%scan3A_105, %get3A_164] : memref<2x16000xf32, #tpu.memory_space<vmem>> -> memref<1x16000xf32, #tpu.memory_space<vmem>>
        %get3A_166 = tpu.memref_squeeze %get3A_165 : memref<1x16000xf32, #tpu.memory_space<vmem>> -> memref<16000xf32, #tpu.memory_space<vmem>>
        %get3A_167 = arith.index_cast %mul3A_163 : i32 to index
        %get3A_168 = tpu.vector_load %get3A_166[%get3A_167] {strides = array<i32>} : memref<16000xf32, #tpu.memory_space<vmem>>, vector<16xf32>,
        %get3A_169 = vector.shape_cast %get3A_168 : vector<16xf32> to vector<16xf32>
        %add3A_170 = arith.constant 16 : i32
        %add3A_171 = arith.addi %mul3A_163, %add3A_170 : i32
        %get3A_172 = arith.constant 0 : i32
        %get3A_173 = tpu.memref_slice %arg6[%scan3A_105, %get3A_172] : memref<2x16000xf32, #tpu.memory_space<vmem>> -> memref<1x16000xf32, #tpu.memory_space<vmem>>
        %get3A_174 = tpu.memref_squeeze %get3A_173 : memref<1x16000xf32, #tpu.memory_space<vmem>> -> memref<16000xf32, #tpu.memory_space<vmem>>
        %get3A_175 = arith.index_cast %add3A_171 : i32 to index
        %get3A_176 = tpu.vector_load %get3A_174[%get3A_175] {strides = array<i32>} : memref<16000xf32, #tpu.memory_space<vmem>>, vector<16xf32>,
        %get3A_177 = vector.shape_cast %get3A_176 : vector<16xf32> to vector<16xf32>
        %add3A_178 = arith.addf %scan3A_160, %get3A_169 : vector<16xf32>
        %add3A_179 = arith.addf %scan3A_161, %get3A_177 : vector<16xf32>
        scf.yield %add3A_178, %add3A_179 : vector<16xf32>, vector<16xf32>
      }
      %scan3A_111 = arith.constant 500 : i32
      %mul3A_112 = arith.constant 2 : i32
      %mul3A_113 = arith.muli %mul3A_112, %scan3A_94 : i32
      %add3A_114 = arith.constant 2 : i32
      %add3A_115 = arith.addi %mul3A_113, %add3A_114 : i32
      %mul3A_116 = arith.constant 16000 : i32
      %mul3A_117 = arith.muli %add3A_115, %mul3A_116 : i32
      %add3A_118 = arith.addi %mul3A_2, %mul3A_117 : i32
      %dma_start3A_119 = arith.constant 0 : i32
      %dma_start3A_120 = arith.constant 0 : i32
      %dma_start3A_121 = tpu.memref_slice %arg6[%dma_start3A_119, %dma_start3A_120] : memref<2x16000xf32, #tpu.memory_space<vmem>> -> memref<1x16000xf32, #tpu.memory_space<vmem>>
      %dma_start3A_122 = tpu.memref_squeeze %dma_start3A_121 : memref<1x16000xf32, #tpu.memory_space<vmem>> -> memref<16000xf32, #tpu.memory_space<vmem>>
      %dma_start3A_123 = tpu.memref_slice %arg2[%add3A_118] : memref<51200000xf32, #tpu.memory_space<hbm>> -> memref<16000xf32, #tpu.memory_space<hbm>>
      %dma_start3A_124 = arith.constant 0 : i32
      %dma_start3A_125 = tpu.memref_slice %arg6[%dma_start3A_119, %dma_start3A_124] : memref<2x16000xf32, #tpu.memory_space<vmem>> -> memref<1x16000xf32, #tpu.memory_space<vmem>>
      %dma_start3A_126 = tpu.memref_squeeze %dma_start3A_125 : memref<1x16000xf32, #tpu.memory_space<vmem>> -> memref<16000xf32, #tpu.memory_space<vmem>>
      %dma_start3A_127 = tpu.memref_slice %arg2[%add3A_118] : memref<51200000xf32, #tpu.memory_space<hbm>> -> memref<16000xf32, #tpu.memory_space<hbm>>
      tpu.enqueue_dma source(%dma_start3A_127 : memref<16000xf32, #tpu.memory_space<hbm>>) target(%dma_start3A_126 : memref<16000xf32, #tpu.memory_space<vmem>>) target_semaphore(%arg11 : memref<!tpu.dma_semaphore, #tpu.memory_space<semaphore_mem>>)
      %dma_wait3A_128 = arith.constant 0 : i32
      %dma_wait3A_129 = tpu.memref_slice %arg6[%scan3A_36, %dma_wait3A_128] : memref<2x16000xf32, #tpu.memory_space<vmem>> -> memref<1x16000xf32, #tpu.memory_space<vmem>>
      %dma_wait3A_130 = tpu.memref_squeeze %dma_wait3A_129 : memref<1x16000xf32, #tpu.memory_space<vmem>> -> memref<16000xf32, #tpu.memory_space<vmem>>
      %dma_wait3A_131 = tpu.memref_slice %arg2[%add3A_25] : memref<51200000xf32, #tpu.memory_space<hbm>> -> memref<16000xf32, #tpu.memory_space<hbm>>
      %dma_wait3A_132 = arith.constant 0 : i32
      %dma_wait3A_133 = tpu.memref_slice %arg6[%scan3A_36, %dma_wait3A_132] : memref<2x16000xf32, #tpu.memory_space<vmem>> -> memref<1x16000xf32, #tpu.memory_space<vmem>>
      %dma_wait3A_134 = tpu.memref_squeeze %dma_wait3A_133 : memref<1x16000xf32, #tpu.memory_space<vmem>> -> memref<16000xf32, #tpu.memory_space<vmem>>
      %dma_wait3A_135 = tpu.memref_slice %arg2[%add3A_25] : memref<51200000xf32, #tpu.memory_space<hbm>> -> memref<16000xf32, #tpu.memory_space<hbm>>
      tpu.wait_dma2 semaphore(%arg12 : memref<!tpu.dma_semaphore, #tpu.memory_space<semaphore_mem>>) src(%dma_wait3A_135 : memref<16000xf32, #tpu.memory_space<hbm>>) dst(%dma_wait3A_134 : memref<16000xf32, #tpu.memory_space<vmem>>)
      %scan3A_136 = arith.constant 1 : i32
      %scan3A_137 = arith.constant 0 : i32
      %scan3A_138 = arith.constant 500 : i32
      %scan3A_139 = arith.addi %scan3A_137, %scan3A_138 : i32
      %scan3A_140 = arith.constant 1 : i32
      %scan3A_141:2 = scf.for %scan3A_159 = %scan3A_137 to %scan3A_139 step %scan3A_140 iter_args(%scan3A_160 = %scan3A_110#0, %scan3A_161 = %scan3A_110#1) -> (vector<16xf32>, vector<16xf32>)  : i32 {
        %mul3A_162 = arith.constant 32 : i32
        %mul3A_163 = arith.muli %scan3A_159, %mul3A_162 : i32
        %get3A_164 = arith.constant 0 : i32
        %get3A_165 = tpu.memref_slice %arg6[%scan3A_136, %get3A_164] : memref<2x16000xf32, #tpu.memory_space<vmem>> -> memref<1x16000xf32, #tpu.memory_space<vmem>>
        %get3A_166 = tpu.memref_squeeze %get3A_165 : memref<1x16000xf32, #tpu.memory_space<vmem>> -> memref<16000xf32, #tpu.memory_space<vmem>>
        %get3A_167 = arith.index_cast %mul3A_163 : i32 to index
        %get3A_168 = tpu.vector_load %get3A_166[%get3A_167] {strides = array<i32>} : memref<16000xf32, #tpu.memory_space<vmem>>, vector<16xf32>,
        %get3A_169 = vector.shape_cast %get3A_168 : vector<16xf32> to vector<16xf32>
        %add3A_170 = arith.constant 16 : i32
        %add3A_171 = arith.addi %mul3A_163, %add3A_170 : i32
        %get3A_172 = arith.constant 0 : i32
        %get3A_173 = tpu.memref_slice %arg6[%scan3A_136, %get3A_172] : memref<2x16000xf32, #tpu.memory_space<vmem>> -> memref<1x16000xf32, #tpu.memory_space<vmem>>
        %get3A_174 = tpu.memref_squeeze %get3A_173 : memref<1x16000xf32, #tpu.memory_space<vmem>> -> memref<16000xf32, #tpu.memory_space<vmem>>
        %get3A_175 = arith.index_cast %add3A_171 : i32 to index
        %get3A_176 = tpu.vector_load %get3A_174[%get3A_175] {strides = array<i32>} : memref<16000xf32, #tpu.memory_space<vmem>>, vector<16xf32>,
        %get3A_177 = vector.shape_cast %get3A_176 : vector<16xf32> to vector<16xf32>
        %add3A_178 = arith.addf %scan3A_160, %get3A_169 : vector<16xf32>
        %add3A_179 = arith.addf %scan3A_161, %get3A_177 : vector<16xf32>
        scf.yield %add3A_178, %add3A_179 : vector<16xf32>, vector<16xf32>
      }
      %scan3A_142 = arith.constant 500 : i32
      %mul3A_143 = arith.constant 2 : i32
      %mul3A_144 = arith.muli %mul3A_143, %scan3A_94 : i32
      %add3A_145 = arith.constant 3 : i32
      %add3A_146 = arith.addi %mul3A_144, %add3A_145 : i32
      %mul3A_147 = arith.constant 16000 : i32
      %mul3A_148 = arith.muli %add3A_146, %mul3A_147 : i32
      %add3A_149 = arith.addi %mul3A_2, %mul3A_148 : i32
      %dma_start3A_150 = arith.constant 1 : i32
      %dma_start3A_151 = arith.constant 0 : i32
      %dma_start3A_152 = tpu.memref_slice %arg6[%dma_start3A_150, %dma_start3A_151] : memref<2x16000xf32, #tpu.memory_space<vmem>> -> memref<1x16000xf32, #tpu.memory_space<vmem>>
      %dma_start3A_153 = tpu.memref_squeeze %dma_start3A_152 : memref<1x16000xf32, #tpu.memory_space<vmem>> -> memref<16000xf32, #tpu.memory_space<vmem>>
      %dma_start3A_154 = tpu.memref_slice %arg2[%add3A_149] : memref<51200000xf32, #tpu.memory_space<hbm>> -> memref<16000xf32, #tpu.memory_space<hbm>>
      %dma_start3A_155 = arith.constant 0 : i32
      %dma_start3A_156 = tpu.memref_slice %arg6[%dma_start3A_150, %dma_start3A_155] : memref<2x16000xf32, #tpu.memory_space<vmem>> -> memref<1x16000xf32, #tpu.memory_space<vmem>>
      %dma_start3A_157 = tpu.memref_squeeze %dma_start3A_156 : memref<1x16000xf32, #tpu.memory_space<vmem>> -> memref<16000xf32, #tpu.memory_space<vmem>>
      %dma_start3A_158 = tpu.memref_slice %arg2[%add3A_149] : memref<51200000xf32, #tpu.memory_space<hbm>> -> memref<16000xf32, #tpu.memory_space<hbm>>
      tpu.enqueue_dma source(%dma_start3A_158 : memref<16000xf32, #tpu.memory_space<hbm>>) target(%dma_start3A_157 : memref<16000xf32, #tpu.memory_space<vmem>>) target_semaphore(%arg12 : memref<!tpu.dma_semaphore, #tpu.memory_space<semaphore_mem>>)
      scf.yield %scan3A_141#0, %scan3A_141#1 : vector<16xf32>, vector<16xf32>
    }
    %scan3A_42 = arith.constant 49 : i32
    %dma_wait3A_43 = arith.constant 0 : i32
    %dma_wait3A_44 = arith.constant 0 : i32
    %dma_wait3A_45 = tpu.memref_slice %arg6[%dma_wait3A_43, %dma_wait3A_44] : memref<2x16000xf32, #tpu.memory_space<vmem>> -> memref<1x16000xf32, #tpu.memory_space<vmem>>
    %dma_wait3A_46 = tpu.memref_squeeze %dma_wait3A_45 : memref<1x16000xf32, #tpu.memory_space<vmem>> -> memref<16000xf32, #tpu.memory_space<vmem>>
    %dma_wait3A_47 = tpu.memref_slice %arg2[%mul3A_2] : memref<51200000xf32, #tpu.memory_space<hbm>> -> memref<16000xf32, #tpu.memory_space<hbm>>
    %dma_wait3A_48 = arith.constant 0 : i32
    %dma_wait3A_49 = tpu.memref_slice %arg6[%dma_wait3A_43, %dma_wait3A_48] : memref<2x16000xf32, #tpu.memory_space<vmem>> -> memref<1x16000xf32, #tpu.memory_space<vmem>>
    %dma_wait3A_50 = tpu.memref_squeeze %dma_wait3A_49 : memref<1x16000xf32, #tpu.memory_space<vmem>> -> memref<16000xf32, #tpu.memory_space<vmem>>
    %dma_wait3A_51 = tpu.memref_slice %arg2[%mul3A_2] : memref<51200000xf32, #tpu.memory_space<hbm>> -> memref<16000xf32, #tpu.memory_space<hbm>>
    tpu.wait_dma2 semaphore(%arg11 : memref<!tpu.dma_semaphore, #tpu.memory_space<semaphore_mem>>) src(%dma_wait3A_51 : memref<16000xf32, #tpu.memory_space<hbm>>) dst(%dma_wait3A_50 : memref<16000xf32, #tpu.memory_space<vmem>>)
    %scan3A_52 = arith.constant 0 : i32
    %scan3A_53 = arith.constant 0 : i32
    %scan3A_54 = arith.constant 500 : i32
    %scan3A_55 = arith.addi %scan3A_53, %scan3A_54 : i32
    %scan3A_56 = arith.constant 1 : i32
    %scan3A_57:2 = scf.for %scan3A_94 = %scan3A_53 to %scan3A_55 step %scan3A_56 iter_args(%scan3A_95 = %scan3A_41#0, %scan3A_96 = %scan3A_41#1) -> (vector<16xf32>, vector<16xf32>)  : i32 {
      %mul3A_97 = arith.constant 32 : i32
      %mul3A_98 = arith.muli %scan3A_94, %mul3A_97 : i32
      %get3A_99 = arith.constant 0 : i32
      %get3A_100 = tpu.memref_slice %arg6[%scan3A_52, %get3A_99] : memref<2x16000xf32, #tpu.memory_space<vmem>> -> memref<1x16000xf32, #tpu.memory_space<vmem>>
      %get3A_101 = tpu.memref_squeeze %get3A_100 : memref<1x16000xf32, #tpu.memory_space<vmem>> -> memref<16000xf32, #tpu.memory_space<vmem>>
      %get3A_102 = arith.index_cast %mul3A_98 : i32 to index
      %get3A_103 = tpu.vector_load %get3A_101[%get3A_102] {strides = array<i32>} : memref<16000xf32, #tpu.memory_space<vmem>>, vector<16xf32>,
      %get3A_104 = vector.shape_cast %get3A_103 : vector<16xf32> to vector<16xf32>
      %add3A_105 = arith.constant 16 : i32
      %add3A_106 = arith.addi %mul3A_98, %add3A_105 : i32
      %get3A_107 = arith.constant 0 : i32
      %get3A_108 = tpu.memref_slice %arg6[%scan3A_52, %get3A_107] : memref<2x16000xf32, #tpu.memory_space<vmem>> -> memref<1x16000xf32, #tpu.memory_space<vmem>>
      %get3A_109 = tpu.memref_squeeze %get3A_108 : memref<1x16000xf32, #tpu.memory_space<vmem>> -> memref<16000xf32, #tpu.memory_space<vmem>>
      %get3A_110 = arith.index_cast %add3A_106 : i32 to index
      %get3A_111 = tpu.vector_load %get3A_109[%get3A_110] {strides = array<i32>} : memref<16000xf32, #tpu.memory_space<vmem>>, vector<16xf32>,
      %get3A_112 = vector.shape_cast %get3A_111 : vector<16xf32> to vector<16xf32>
      %add3A_113 = arith.addf %scan3A_95, %get3A_104 : vector<16xf32>
      %add3A_114 = arith.addf %scan3A_96, %get3A_112 : vector<16xf32>
      scf.yield %add3A_113, %add3A_114 : vector<16xf32>, vector<16xf32>
    }
    %scan3A_58 = arith.constant 500 : i32
    %dma_wait3A_59 = arith.constant 1 : i32
    %dma_wait3A_60 = arith.constant 0 : i32
    %dma_wait3A_61 = tpu.memref_slice %arg6[%dma_wait3A_59, %dma_wait3A_60] : memref<2x16000xf32, #tpu.memory_space<vmem>> -> memref<1x16000xf32, #tpu.memory_space<vmem>>
    %dma_wait3A_62 = tpu.memref_squeeze %dma_wait3A_61 : memref<1x16000xf32, #tpu.memory_space<vmem>> -> memref<16000xf32, #tpu.memory_space<vmem>>
    %dma_wait3A_63 = tpu.memref_slice %arg2[%add3A_25] : memref<51200000xf32, #tpu.memory_space<hbm>> -> memref<16000xf32, #tpu.memory_space<hbm>>
    %dma_wait3A_64 = arith.constant 0 : i32
    %dma_wait3A_65 = tpu.memref_slice %arg6[%dma_wait3A_59, %dma_wait3A_64] : memref<2x16000xf32, #tpu.memory_space<vmem>> -> memref<1x16000xf32, #tpu.memory_space<vmem>>
    %dma_wait3A_66 = tpu.memref_squeeze %dma_wait3A_65 : memref<1x16000xf32, #tpu.memory_space<vmem>> -> memref<16000xf32, #tpu.memory_space<vmem>>
    %dma_wait3A_67 = tpu.memref_slice %arg2[%add3A_25] : memref<51200000xf32, #tpu.memory_space<hbm>> -> memref<16000xf32, #tpu.memory_space<hbm>>
    tpu.wait_dma2 semaphore(%arg12 : memref<!tpu.dma_semaphore, #tpu.memory_space<semaphore_mem>>) src(%dma_wait3A_67 : memref<16000xf32, #tpu.memory_space<hbm>>) dst(%dma_wait3A_66 : memref<16000xf32, #tpu.memory_space<vmem>>)
    %scan3A_68 = arith.constant 1 : i32
    %scan3A_69 = arith.constant 0 : i32
    %scan3A_70 = arith.constant 500 : i32
    %scan3A_71 = arith.addi %scan3A_69, %scan3A_70 : i32
    %scan3A_72 = arith.constant 1 : i32
    %scan3A_73:2 = scf.for %scan3A_94 = %scan3A_69 to %scan3A_71 step %scan3A_72 iter_args(%scan3A_95 = %scan3A_57#0, %scan3A_96 = %scan3A_57#1) -> (vector<16xf32>, vector<16xf32>)  : i32 {
      %mul3A_97 = arith.constant 32 : i32
      %mul3A_98 = arith.muli %scan3A_94, %mul3A_97 : i32
      %get3A_99 = arith.constant 0 : i32
      %get3A_100 = tpu.memref_slice %arg6[%scan3A_68, %get3A_99] : memref<2x16000xf32, #tpu.memory_space<vmem>> -> memref<1x16000xf32, #tpu.memory_space<vmem>>
      %get3A_101 = tpu.memref_squeeze %get3A_100 : memref<1x16000xf32, #tpu.memory_space<vmem>> -> memref<16000xf32, #tpu.memory_space<vmem>>
      %get3A_102 = arith.index_cast %mul3A_98 : i32 to index
      %get3A_103 = tpu.vector_load %get3A_101[%get3A_102] {strides = array<i32>} : memref<16000xf32, #tpu.memory_space<vmem>>, vector<16xf32>,
      %get3A_104 = vector.shape_cast %get3A_103 : vector<16xf32> to vector<16xf32>
      %add3A_105 = arith.constant 16 : i32
      %add3A_106 = arith.addi %mul3A_98, %add3A_105 : i32
      %get3A_107 = arith.constant 0 : i32
      %get3A_108 = tpu.memref_slice %arg6[%scan3A_68, %get3A_107] : memref<2x16000xf32, #tpu.memory_space<vmem>> -> memref<1x16000xf32, #tpu.memory_space<vmem>>
      %get3A_109 = tpu.memref_squeeze %get3A_108 : memref<1x16000xf32, #tpu.memory_space<vmem>> -> memref<16000xf32, #tpu.memory_space<vmem>>
      %get3A_110 = arith.index_cast %add3A_106 : i32 to index
      %get3A_111 = tpu.vector_load %get3A_109[%get3A_110] {strides = array<i32>} : memref<16000xf32, #tpu.memory_space<vmem>>, vector<16xf32>,
      %get3A_112 = vector.shape_cast %get3A_111 : vector<16xf32> to vector<16xf32>
      %add3A_113 = arith.addf %scan3A_95, %get3A_104 : vector<16xf32>
      %add3A_114 = arith.addf %scan3A_96, %get3A_112 : vector<16xf32>
      scf.yield %add3A_113, %add3A_114 : vector<16xf32>, vector<16xf32>
    }
    %scan3A_74 = arith.constant 500 : i32
    %swap3A = arith.constant 0 : i32
    %swap3A_75 = arith.index_cast %swap3A : i32 to index
    %swap3A_76 = arith.constant 0 : index
    %swap3A_77 = tpu.vector_load %arg9[%swap3A_75, %swap3A_76] {strides = array<i32>} : memref<2x16xf32, #tpu.memory_space<vmem>>, vector<1x16xf32>,
    %swap3A_78 = vector.shape_cast %swap3A_77 : vector<1x16xf32> to vector<16xf32>
    %swap3A_79 = vector.shape_cast %scan3A_73#0 : vector<16xf32> to vector<1x16xf32>
    tpu.vector_store %arg9[%swap3A_75, %swap3A_76], %swap3A_79 {strides = array<i32>} : memref<2x16xf32, #tpu.memory_space<vmem>>, vector<1x16xf32>,
    %swap3A_80 = arith.constant 1 : i32
    %swap3A_81 = arith.index_cast %swap3A_80 : i32 to index
    %swap3A_82 = arith.constant 0 : index
    %swap3A_83 = tpu.vector_load %arg9[%swap3A_81, %swap3A_82] {strides = array<i32>} : memref<2x16xf32, #tpu.memory_space<vmem>>, vector<1x16xf32>,
    %swap3A_84 = vector.shape_cast %swap3A_83 : vector<1x16xf32> to vector<16xf32>
    %swap3A_85 = vector.shape_cast %scan3A_73#1 : vector<16xf32> to vector<1x16xf32>
    tpu.vector_store %arg9[%swap3A_81, %swap3A_82], %swap3A_85 {strides = array<i32>} : memref<2x16xf32, #tpu.memory_space<vmem>>, vector<1x16xf32>,
    "tpu.region"() ({
      %run_scoped3A = tpu.sem_alloc : memref<!tpu.dma_semaphore, #tpu.memory_space<semaphore_mem>>
      %dma_start3A_94 = arith.constant 0 : i32
      %dma_start3A_95 = arith.constant 0 : i32
      %dma_start3A_96 = tpu.memref_slice %arg4[%add3A, %dma_start3A_94, %dma_start3A_95] : memref<32x2x16xf32, #tpu.memory_space<hbm>> -> memref<1x2x16xf32, #tpu.memory_space<hbm>>
      %dma_start3A_97 = tpu.memref_squeeze %dma_start3A_96 : memref<1x2x16xf32, #tpu.memory_space<hbm>> -> memref<2x16xf32, #tpu.memory_space<hbm>>
      %dma_start3A_98 = arith.constant 0 : i32
      %dma_start3A_99 = arith.constant 0 : i32
      %dma_start3A_100 = tpu.memref_slice %arg4[%add3A, %dma_start3A_98, %dma_start3A_99] : memref<32x2x16xf32, #tpu.memory_space<hbm>> -> memref<1x2x16xf32, #tpu.memory_space<hbm>>
      %dma_start3A_101 = tpu.memref_squeeze %dma_start3A_100 : memref<1x2x16xf32, #tpu.memory_space<hbm>> -> memref<2x16xf32, #tpu.memory_space<hbm>>
      tpu.enqueue_dma source(%arg9 : memref<2x16xf32, #tpu.memory_space<vmem>>) target(%dma_start3A_101 : memref<2x16xf32, #tpu.memory_space<hbm>>) target_semaphore(%run_scoped3A : memref<!tpu.dma_semaphore, #tpu.memory_space<semaphore_mem>>)
      %dma_wait3A_102 = arith.constant 0 : i32
      %dma_wait3A_103 = arith.constant 0 : i32
      %dma_wait3A_104 = tpu.memref_slice %arg4[%add3A, %dma_wait3A_102, %dma_wait3A_103] : memref<32x2x16xf32, #tpu.memory_space<hbm>> -> memref<1x2x16xf32, #tpu.memory_space<hbm>>
      %dma_wait3A_105 = tpu.memref_squeeze %dma_wait3A_104 : memref<1x2x16xf32, #tpu.memory_space<hbm>> -> memref<2x16xf32, #tpu.memory_space<hbm>>
      %dma_wait3A_106 = arith.constant 0 : i32
      %dma_wait3A_107 = arith.constant 0 : i32
      %dma_wait3A_108 = tpu.memref_slice %arg4[%add3A, %dma_wait3A_106, %dma_wait3A_107] : memref<32x2x16xf32, #tpu.memory_space<hbm>> -> memref<1x2x16xf32, #tpu.memory_space<hbm>>
      %dma_wait3A_109 = tpu.memref_squeeze %dma_wait3A_108 : memref<1x2x16xf32, #tpu.memory_space<hbm>> -> memref<2x16xf32, #tpu.memory_space<hbm>>
      tpu.wait_dma2 semaphore(%run_scoped3A : memref<!tpu.dma_semaphore, #tpu.memory_space<semaphore_mem>>) src(%arg9 : memref<2x16xf32, #tpu.memory_space<vmem>>) dst(%dma_wait3A_109 : memref<2x16xf32, #tpu.memory_space<hbm>>)
      tpu.yield
    }) : () -> ()
    %dma_wait3A_86 = arith.constant 0 : i32
    %dma_wait3A_87 = tpu.memref_slice %arg2[%dma_wait3A_86] : memref<51200000xf32, #tpu.memory_space<hbm>> -> memref<51200000xf32, #tpu.memory_space<hbm>>
    tpu.wait_indirect_dma semaphore(%arg13 : memref<!tpu.dma_semaphore, #tpu.memory_space<semaphore_mem>>) src(%dma_wait3A_87 : memref<51200000xf32, #tpu.memory_space<hbm>>) dst(%arg8 : memref<16xf32, #tpu.memory_space<vmem>>)
    %get3A = arith.constant 0 : index
    %get3A_88 = tpu.vector_load %arg8[%get3A] {strides = array<i32>} : memref<16xf32, #tpu.memory_space<vmem>>, vector<16xf32>,
    %get3A_89 = vector.shape_cast %get3A_88 : vector<16xf32> to vector<16xf32>
    %swap3A_90 = arith.constant 0 : index
    %swap3A_91 = tpu.vector_load %arg10[%swap3A_90] {strides = array<i32>} : memref<16xf32, #tpu.memory_space<vmem>>, vector<16xf32>,
    %swap3A_92 = vector.shape_cast %swap3A_91 : vector<16xf32> to vector<16xf32>
    %swap3A_93 = vector.shape_cast %get3A_89 : vector<16xf32> to vector<16xf32>
    tpu.vector_store %arg10[%swap3A_90], %swap3A_93 {strides = array<i32>} : memref<16xf32, #tpu.memory_space<vmem>>, vector<16xf32>,
    "tpu.region"() ({
      %run_scoped3A = tpu.sem_alloc : memref<!tpu.dma_semaphore, #tpu.memory_space<semaphore_mem>>
      %dma_start3A_94 = arith.constant 0 : i32
      %dma_start3A_95 = tpu.memref_slice %arg5[%add3A, %dma_start3A_94] : memref<32x16xf32, #tpu.memory_space<hbm>> -> memref<1x16xf32, #tpu.memory_space<hbm>>
      %dma_start3A_96 = tpu.memref_squeeze %dma_start3A_95 : memref<1x16xf32, #tpu.memory_space<hbm>> -> memref<16xf32, #tpu.memory_space<hbm>>
      %dma_start3A_97 = arith.constant 0 : i32
      %dma_start3A_98 = tpu.memref_slice %arg5[%add3A, %dma_start3A_97] : memref<32x16xf32, #tpu.memory_space<hbm>> -> memref<1x16xf32, #tpu.memory_space<hbm>>
      %dma_start3A_99 = tpu.memref_squeeze %dma_start3A_98 : memref<1x16xf32, #tpu.memory_space<hbm>> -> memref<16xf32, #tpu.memory_space<hbm>>
      tpu.enqueue_dma source(%arg10 : memref<16xf32, #tpu.memory_space<vmem>>) target(%dma_start3A_99 : memref<16xf32, #tpu.memory_space<hbm>>) target_semaphore(%run_scoped3A : memref<!tpu.dma_semaphore, #tpu.memory_space<semaphore_mem>>)
      %dma_wait3A_100 = arith.constant 0 : i32
      %dma_wait3A_101 = tpu.memref_slice %arg5[%add3A, %dma_wait3A_100] : memref<32x16xf32, #tpu.memory_space<hbm>> -> memref<1x16xf32, #tpu.memory_space<hbm>>
      %dma_wait3A_102 = tpu.memref_squeeze %dma_wait3A_101 : memref<1x16xf32, #tpu.memory_space<hbm>> -> memref<16xf32, #tpu.memory_space<hbm>>
      %dma_wait3A_103 = arith.constant 0 : i32
      %dma_wait3A_104 = tpu.memref_slice %arg5[%add3A, %dma_wait3A_103] : memref<32x16xf32, #tpu.memory_space<hbm>> -> memref<1x16xf32, #tpu.memory_space<hbm>>
      %dma_wait3A_105 = tpu.memref_squeeze %dma_wait3A_104 : memref<1x16xf32, #tpu.memory_space<hbm>> -> memref<16xf32, #tpu.memory_space<hbm>>
      tpu.wait_dma2 semaphore(%run_scoped3A : memref<!tpu.dma_semaphore, #tpu.memory_space<semaphore_mem>>) src(%arg10 : memref<16xf32, #tpu.memory_space<vmem>>) dst(%dma_wait3A_105 : memref<16xf32, #tpu.memory_space<hbm>>)
      tpu.yield
    }) : () -> ()
    return
  }
}

</mosaic_0001>

<sc_bundles>
// kernel: kernel.3.cloned.1.call-start
scs
__scs_entry_jumppad:
0x0: {  	(pc) =	sbr.rel $0x88, $3  }
0x1: {  	(tag) =	ssettag $0x0;
	lr =	simm.s32 $0x1  }
0x2: {  	[smem:$0x3F9F] =	sst lr;
	_ =	strace $0xD0000000  }
0x3: {  	_ = 	snop  }
0x4: {  	_ = 	snop  }
0x5: {  	_ = 	snop  }
0x6: {  	_ = 	snop  }
0x7: {  	_ = 	snop  }
__scs_overlays_trampoline_lowered:
0x8: {  	[smem:$0x3FAE] =	sst s0  }
0x9: {  	[smem:$0x3FAF] =	sst s1  }
0xa: {  	[smem:$0x3FB0] =	sst s2  }
0xb: {  	[smem:$0x3FB1] =	sst s3  }
0xc: {  	[smem:$0x3FB2] =	sst s4  }
0xd: {  	[smem:$0x3FB3] =	sst s5  }
0xe: {  	[smem:$0x3FB4] =	sst s6  }
0xf: {  	[smem:$0x3FB5] =	sst s7  }
0x10: {  	[smem:$0x3FB6] =	sst s8  }
0x11: {  	[smem:$0x3FB7] =	sst s9;
	s0 =	simm.s32 @!p0 $0x0  }
0x12: {  	s1 =	sld [smem:$0x3F9D];
	s0 =	simm.s32 @p0 $0x1  }
0x13: {  	[smem:$0x3FB8] =	sst s0;
	s0 =	simm.s32 @!p1 $0x0  }
0x14: {  	s2 =	sld [smem:$0x3F9C];
	s0 =	simm.s32 @p1 $0x1  }
0x15: {  	[smem:$0x3FB9] =	sst s0;
	s0 =	simm.s32 @!p2 $0x0  }
0x16: {  	s3 =	sld [smem:$0x3FDB];
	s0 =	simm.s32 @p2 $0x1  }
0x17: {  	s4 =	simm.s32 $0x1BF5;
	[smem:$0x3FBB] =	sst s0  }
0x18: {  	s0 =	sld [smem:$0x3F9E];
	_ =	swait.ge [sflag:s4], $0x0  }
0x19: {  	s7 =	sld [smem:$0x3F9F]  }
0x1a: {  	s8 =	sadd.s32 $0xFFFFE003, lr  }
0x1b: {  	s9 =	sadd.s32 $0xFFFFFEF7, lr;
	s5 =	simm.s32 $0xFFFFFFFF;
	p2 =	slt.u32 s8, $0xFFFFF086  }
0x1c: {  	p1 =	slt.u32 s9, $0xF7A;
	s5 =	simm.s32 @!p2 $0x0  }
0x1d: {  	s5 =	simm.s32 @p1 $0x1;
	p0 =	seq.s32 s7, s2  }
0x1e: {  	s7 =	smul.u32 @!p0 $0xF7A, s2;
	p2 =	seq.s32 @!p0 s5, $0x0  }
0x1f: {  	s9 =	smul.u32 $0xF7A, s1;
	s8 =	simm.s32 @!p0 $0x1BF5;
	p2 =	por !p2, p0  }
0x20: {  	[sflag:s8] =	ssyncset.s32 @!p0 $0xFFFFF086;
	s6 =	sadd.s32 @!p0 s3, s7;
	s7 =	simm.s32 @!p0 $0x108  }
0x21: {  	s3 =	sadd.s32 s3, s9;
	s6 =	sadd.s32 @!p0 $0x88, s6;
	s7 =	simm.s32 @p2 $0x1082  }
0x22: {  	[simem:s7], [sflag:s8] =	dma.local @!p0 [hbm:s6], $0xF7A  }
0x23: {  	s9 =	sor.u32 $0xD0000000, s2;
	s6 =	simm.s32 $0x108;
	_ =	swait.ge @!p0 [sflag:s8], $0x0  }
0x24: {  	s3 =	sadd.s32 $0x88, s3;
	s6 =	simm.s32 @!p1 $0x1082;
	[sflag:s4] =	ssyncset.s32 $0xFFFFF086  }
0x25: {  	[simem:s6], [sflag:s4] =	dma.local [hbm:s3], $0xF7A  }
0x26: {  	[smem:$0x3F9F] =	sst s1;
	(tag) =	ssettag s2;
	_ =	strace s9  }
0x27: {  	s1 =	sld [smem:$0x3FAF]  }
0x28: {  	s2 =	sld [smem:$0x3FB0]  }
0x29: {  	s4 =	sld [smem:$0x3FB2]  }
0x2a: {  	p0 =	seq.s32 s5, $0x0;
	s5 =	sld [smem:$0x3FB3]  }
0x2b: {  	s6 =	sld [smem:$0x3FB4]  }
0x2c: {  	s7 =	sld [smem:$0x3FB5]  }
0x2d: {  	s3 =	simm.s32 $0x108;
	s8 =	sld [smem:$0x3FB6]  }
0x2e: {  	s3 =	simm.s32 @!p0 $0x1082;
	s9 =	sld [smem:$0x3FB7]  }
0x2f: {  	lr =	sadd.s32 s0, s3;
	s0 =	sld [smem:$0x3FAE]  }
0x30: {  	s3 =	sld [smem:$0x3FB1]  }
0x31: {  	[smem:$0x3FBA] =	sst s10  }
0x32: {  	s10 =	sld [smem:$0x3FB8];
	_ =	sdelay $0x3  }
0x33: {  	p0 =	seq.s32 s10, $0x1;
	s10 =	sld [smem:$0x3FBA];
	_ =	sdelay $0x3  }
0x34: {  	[smem:$0x3FBA] =	sst s10  }
0x35: {  	s10 =	sld [smem:$0x3FB9];
	_ =	sdelay $0x3  }
0x36: {  	p1 =	seq.s32 s10, $0x1;
	s10 =	sld [smem:$0x3FBA];
	_ =	sdelay $0x3  }
0x37: {  	[smem:$0x3FBA] =	sst s10  }
0x38: {  	s10 =	sld [smem:$0x3FBB]  }
0x39: {  	_ = 	snop;
	(pc) =	sbr.ind lr, $3  }
0x3a: {  	_ = 	snop  }
0x3b: {  	_ = 	snop  }
0x3c: {  	p2 =	seq.s32 s10, $0x1;
	s10 =	sld [smem:$0x3FBA]  }
0x3d: {  	_ =	shalt  }
0x3e: {  	_ =	shalt  }
0x3f: {  	_ =	shalt  }
0x40: {  	_ =	shalt  }
0x41: {  	_ =	shalt  }
0x42: {  	_ =	shalt  }
0x43: {  	_ =	shalt  }
0x44: {  	_ =	shalt  }
0x45: {  	_ =	shalt  }
0x46: {  	_ =	shalt  }
0x47: {  	_ =	shalt  }
0x48: {  	_ =	shalt  }
0x49: {  	_ =	shalt  }
0x4a: {  	_ =	shalt  }
0x4b: {  	_ =	shalt  }
0x4c: {  	_ =	shalt  }
0x4d: {  	_ =	shalt  }
0x4e: {  	_ =	shalt  }
0x4f: {  	_ =	shalt  }
0x50: {  	_ =	shalt  }
0x51: {  	_ =	shalt  }
0x52: {  	_ =	shalt  }
0x53: {  	_ =	shalt  }
0x54: {  	_ =	shalt  }
0x55: {  	_ =	shalt  }
0x56: {  	_ =	shalt  }
0x57: {  	_ =	shalt  }
0x58: {  	_ =	shalt  }
0x59: {  	_ =	shalt  }
0x5a: {  	_ =	shalt  }
0x5b: {  	_ =	shalt  }
0x5c: {  	_ =	shalt  }
0x5d: {  	_ =	shalt  }
0x5e: {  	_ =	shalt  }
0x5f: {  	_ =	shalt  }
0x60: {  	_ =	shalt  }
0x61: {  	_ =	shalt  }
0x62: {  	_ =	shalt  }
0x63: {  	_ =	shalt  }
0x64: {  	_ =	shalt  }
0x65: {  	_ =	shalt  }
0x66: {  	_ =	shalt  }
0x67: {  	_ =	shalt  }
0x68: {  	_ =	shalt  }
0x69: {  	_ =	shalt  }
0x6a: {  	_ =	shalt  }
0x6b: {  	_ =	shalt  }
0x6c: {  	_ =	shalt  }
0x6d: {  	_ =	shalt  }
0x6e: {  	_ =	shalt  }
0x6f: {  	_ =	shalt  }
0x70: {  	_ =	shalt  }
0x71: {  	_ =	shalt  }
0x72: {  	_ =	shalt  }
0x73: {  	_ =	shalt  }
0x74: {  	_ =	shalt  }
0x75: {  	_ =	shalt  }
0x76: {  	_ =	shalt  }
0x77: {  	_ =	shalt  }
0x78: {  	_ =	shalt  }
0x79: {  	_ =	shalt  }
0x7a: {  	_ =	shalt  }
0x7b: {  	_ =	shalt  }
0x7c: {  	_ =	shalt  }
0x7d: {  	_ =	shalt  }
0x7e: {  	_ =	shalt  }
0x7f: {  	_ =	shalt  }
0x80: {  	_ =	shalt  }
0x81: {  	_ =	shalt  }
0x82: {  	_ =	shalt  }
0x83: {  	_ =	shalt  }
0x84: {  	_ =	shalt  }
0x85: {  	_ =	shalt  }
0x86: {  	_ =	shalt  }
0x87: {  	_ =	shalt  }
.Lfunc_end0:
.L_simem_size_0:
called_computation_lowered:
.L_overlay_start_0:
0x88: {  	s2 =	sld [smem:$0x3FD9]  }
0x89: {  	s3 =	sld [smem:$0x3FFE];
	_ =	sdelay $0x1  }
0x8a: {  	s1 =	srdreg.scid  }
0x8b: {  	s0 =	sand.u32 $0x1, s1  }
0x8c: {  	s16 =	sshll.u32 s0, $0xA;
	s2 =	sadd.s32 s3, s2  }
0x8d: {  	s2 =	sadd.s32 s2, s16  }
0x8e: {  	[smem:$0x3FC6] =	sst s2  }
0x8f: {  	_ = 	snop  }
0x90: {  	(tm) =	ssettm $0x1  }
0x91: {  	s17 =	sld [smem:$0x3FFB];
	_ =	sdelay $0x3  }
0x92: {  	_ =	strace s17  }
0x93: {  	s2 =	sld [smem:$0x3FFC];
	_ =	sdelay $0x3  }
0x94: {  	_ =	strace s2  }
0x95: {  	s2 =	sld [smem:$0x3FFD];
	_ =	sdelay $0x3  }
0x96: {  	_ =	strace s2  }
0x97: {  	_ =	strace $0x8FFFFFFF  }
0x98: {  	s18 =	sld [smem:$0x3FDB];
	_ =	sdelay $0x1  }
0x99: {  	s19 =	simm.s32 $_scs_section_size  }
0x9a: {  	s4 =	simm.s32 $_size__tile_overlayer_lowered;
	s5 =	simm.s32 $_tile_overlayer_lowered  }
0x9b: {  	s22 =	simm.s32 $0x1BFF;
	s21 =	sshll.u32 s5, $0x1;
	s2 =	sadd.s32 s19, s18  }
0x9c: {  	s6 =	simm.s32 $0x0;
	s20 =	sshll.u32 s4, $0x1;
	s4 =	sadd.s32 s21, s2  }
0x9d: {  	[timem:s6], [sflag:s22] =	dma.local [hbm:s4], s20  }
0x9e: {  	_ =	swait.ge [sflag:s22], s20  }
0x9f: {  	s3 =	ssub.s32 $0x0, s20;
	[sflag:s22] =	ssyncset.done $0x0  }
0xa0: {  	[sflag:s22] =	ssyncadd.s32 s3;
	_ =	sdelay $0x1  }
0xa1: {  	s23 =	simm.s32 $0x1B8B  }
0xa2: {  	_ =	swait.ge [sflag:s23], $0x1  }
0xa3: {  	[sflag:s23] =	ssyncset.done $0x0  }
0xa4: {  	s25 =	simm.s32 $0x1B8E;
	s24 =	sld [smem:$0x3FFE];
	[sflag:s23] =	ssyncadd.s32 $0xFFFFFFFF  }
0xa5: {  	s26 =	simm.s32 $execute0_lowered;
	[smem:$0x3FD2] =	sst s25  }
0xa6: {  	s4 =	sshll.u32 s26, $0x1;
	_ =	strace $0x80000046;
	[dreg:$0x1] =	wrdreg $0xFFFFFFFF  }
0xa7: {  	s28 =	simm.s32 $_size_execute0_lowered;
	s2 =	sadd.s32 s2, s4;
	[dreg:$0x0] =	wrdreg $0x0  }
0xa8: {  	s4 =	sshll.u32 s28, $0x1;
	[dreg:$0x2] =	wrdreg s2  }
0xa9: {  	[dreg:$0x3] =	wrdreg s4  }
0xaa: {  	[dreg:$0x4] =	wrdreg $0xC0  }
0xab: {  	_ =	task [dreg:s6], $0x5FFFF  }
0xac: {  	[dreg:$0x1] =	wrdreg $0xFFFFFFFF  }
0xad: {  	[dreg:$0x0] =	wrdreg $0x60  }
0xae: {  	[dreg:$0x2] =	wrdreg s24  }
0xaf: {  	[dreg:$0x3] =	wrdreg $0x9  }
0xb0: {  	_ =	task.clear_ibuf [dreg:s6], $0x4FFFF;
	_ =	strace $0x90000046  }
0xb1: {  	s29 =	simm.s32 $0x9;
	_ =	strace $0x80000048  }
0xb2: {  	_ =	swait.ge [sflag:s29], $0x1  }
0xb3: {  	[sflag:s29] =	ssyncadd.s32 $0xFFFFFFFF  }
0xb4: {  	_ =	strace $0x90000048  }
0xb5: {  	_ =	sfence  }
0xb6: {  	s30 =	sld [smem:$0x0];
	_ =	sdelay $0x2  }
0xb7: {  	s31 =	sshll.u32 s1, $0xD;
	s1 =	sshrl.u32 s1, $0x2  }
0xb8: {  	s3 =	sand.u32 $0x4000, s31;
	s1 =	sadd.s32 s1, s30  }
0xb9: {  	s0 =	sor.u32 s3, s0;
	s1 =	sshll.u32 s1, $0x11  }
0xba: {  	s0 =	sor.u32 s1, s0  }
0xbb: {  	s0 =	sadd.s32 $0x8F2B, s0  }
0xbc: {  	[sflag:s0] =	ssyncadd.remote.s32 $0x1  }
0xbd: {  	_ =	sfence.sel $0xFFFF  }
0xbe: {  	[dreg:$0x0] =	wrdreg $0xFFFFFFFF;
	(pc) =	sbr.abs _section_cstart, $3  }
0xbf: {  	[dreg:$0x1] =	wrdreg $0xFFFFFFFF  }
0xc0: {  	_ =	task.clear_ibuf [dreg:s6], $0x2FFFF;
	_ =	strace $0x9FFFFFFF  }
0xc1: {  	(tm) =	ssettm $0x7FFFFFFF  }
tec
execute0_lowered:
.L_overlay_start_1:
0x0: {  	(tag) =	ssettag $0x1  }
0x1: {  	s5 =	rddreg [dreg:$0x0]  }
0x2: {  	s0 =	rddreg [dreg:$0x1]  }
0x3: {  	s3 =	srdreg.scid;
	s1 =	stileid.u32;
	s2 =	simm.s32 $0x0  }
0x4: {  	s12 =	simm.s32 $0x7D00;
	s13 =	simm.s32 $0x4;
	s14 =	simm.s32 $0x10  }
0x5: {  	s15 =	simm.s32 $0x7D80;
	s16 =	simm.s32 $0x1;
	s17 =	simm.s32 $0x2  }
0x6: {  	s18 =	simm.s32 $0x7E00;
	s19 =	simm.s32 $0x5;
	s20 =	simm.s32 $0x3  }
0x7: {  	s21 =	simm.s32 $0x7F00;
	s22 =	simm.s32 $0x0;
	s4 =	sand.u32 $0x1, s3  }
0x8: {  	s30 =	sshll.u32 s1, $0x1;
	[smem:$0x7FF] =	sst s2;
	s3 =	sadd.s32 $0x186A000, s5  }
0x9: {  	s6 =	sor.u32 s4, s30;
	_ =	strace $0x80000047;
	s4 =	ssub.s32 $0x2, s4  }
0xa: {  	s8 =	smul.u32 $0x186A00, s6;
	s7 =	sshll.u32 s6, $0x5;
	s31 =	sshrl.u32 s4, $0x1  }
0xb: {  	s6 =	sshll.u32 s6, $0x4;
	s9 =	sadd.s32 s7, s5;
	s11 =	ssub.s32 s4, s31  }
0xc: {  	s5 =	sadd.s32 s5, s6;
	s10 =	sshrl.u32 s8, $0x3;
	s7 =	sadd.s32 $0x7D00, s8  }
0xd: {  	s8 =	sadd.s32 $0xBB80, s8;
	s9 =	sadd.s32 $0x200, s9;
	s4 =	sadd.s32 s3, s10  }
0xe: {  	s11 =	smax.u32 s11, $0x1;
	s10 =	sadd.s32 $0x600, s5;
	s6 =	sadd.s32 $0x7D0, s4  }
.LBB2_1:
0xf: {  	[tilespmem:s12], [sflag:$0x4] =	stream.linear.gather [hbm4b:s5+s2], $0x80, $0x38;
	[tilespmem:$0x7F80] =	vst v63  }
0x10: {  	_ =	swait.ge [sflag:s13], $0x80  }
0x11: {  	s23 =	simm.s32 $0x10;
	s26 =	sadd.s32 $0x0, s4;
	[sflag:s13] =	ssyncset.done $0x0  }
0x12: {  	s24 =	simm.s32 $0x100;
	s25 =	simm.s32 $0x0;
	[sflag:s13] =	ssyncadd.s32 $0xFFFFFF80  }
0x13: {  	[tilespmem:s15], [sflag:$0x3] =	stream.indirect.gather [hbm4b:s3+s14], $0x1, s12, s14, $0xb8;
	[tilespmem:$0x7F80] =	vst v63  }
.LBB2_2:
0x14: {  	[tilespmem:s25], [sflag:$0x1] =	stream.linear.gather [hbm4b:s26+s2], $0x80, $0x38;
	[tilespmem:$0x7F80] =	vst v63  }
0x15: {  	s26 =	smov.u32 s23;
	s25 =	smov.u32 s24;
	p0 =	sne.s32 s23, $0x7C0  }
.Ltmp0:
0x16: {  	s23 =	sadd.s32 $0x10, s23;
	(pc) =	sbr.rel @p0 .LBB2_2-.Ltmp0, $2  }
0x17: {  	_ =	sdelay $0x2  }
0x18: {  	s24 =	sadd.s32 $0x100, s24;
	s26 =	sadd.s32 s26, s4  }
0x19: {  	[tilespmem:s25], [sflag:$0x1] =	stream.linear.gather [hbm4b:s26+s2], $0x80, $0x38;
	[tilespmem:$0x7F80] =	vst v63  }
0x1a: {  	s23 =	simm.s32 $0x0;
	s24 =	simm.s32 $0x80;
	s25 =	simm.s32 $0x0  }
.LBB2_4:
0x1b: {  	p0 =	sne.s32 s25, $0x7C0  }
.Ltmp1:
0x1c: {  	_ = 	snop;
	(pc) =	sbr.rel @p0 .LBB2_4-.Ltmp1, $4  }
0x1d: {  	_ = 	snop  }
0x1e: {  	s26 =	sadd.s32 s25, s6  }
0x1f: {  	[tilespmem:s24], [sflag:$0x2] =	stream.linear.gather [hbm4b:s26+s23], $0x80, $0x38;
	[tilespmem:$0x7F80] =	vst v63  }
0x20: {  	s25 =	sadd.s32 $0x10, s25;
	s24 =	sadd.s32 $0x100, s24  }
0x21: {  	v0 =	vimm.f32 $0.0e+00;
	v1 =	vimm.f32 $0.0e+00  }
.LBB2_6:
0x22: {  	_ =	swait.ge [sflag:s16], $0x3E80;
	s24 =	simm.s32 $0x0  }
0x23: {  	[sflag:s16] =	ssyncset.done $0x0;
	s25 =	sand.u32 $0x60, s24;
	s26 =	sand.u32 $0x7F00, s24  }
0x24: {  	[sflag:s16] =	ssyncadd.s32 $0xFFFFC180;
	s26 =	sor.u32 s25, s26  }
0x25: {  	v2 =	vld [tilespmem:s26+$0x10]  }
0x26: {  	s25 =	simm.s32 $0x20;
	v3 =	vld [tilespmem:s26+$0x0]  }
.LBB2_7:
0x27: {  	p0 =	sne.s32 s25, $0x3E60  }
.Ltmp2:
0x28: {  	s26 =	sand.u32 $0x60, s25;
	s24 =	sadd.s32 $0x40, s24;
	(pc) =	sbr.rel @p0 .LBB2_7-.Ltmp2, $4  }
0x29: {  	s25 =	sadd.s32 $0x20, s25;
	s28 =	sand.u32 $0x7F00, s24  }
0x2a: {  	s26 =	sor.u32 s26, s28;
	v0 =	vadd.f32 v2, v0  }
0x2b: {  	v2 =	vld [tilespmem:s26+$0x10];
	v1 =	vadd.f32 v3, v1  }
0x2c: {  	v3 =	vld [tilespmem:s26+$0x0]  }
0x2d: {  	s24 =	smul.u32 $0x7D00, s23;
	_ =	sdelay $0x1  }
0x2e: {  	s25 =	sadd.s32 s24, s7  }
0x2f: {  	s25 =	sshrl.u32 s25, $0x3  }
0x30: {  	s26 =	simm.s32 $0x0;
	s25 =	sadd.s32 s3, s25  }
0x31: {  	s28 =	simm.s32 $0x10;
	s29 =	simm.s32 $0x100;
	v0 =	vadd.f32 v2, v0;
	v1 =	vadd.f32 v3, v1;
	s30 =	sadd.s32 $0x0, s25  }
.LBB2_9:
0x32: {  	[tilespmem:s26], [sflag:$0x1] =	stream.linear.gather [hbm4b:s30+s2], $0x80, $0x38;
	[tilespmem:$0x7F80] =	vst v63  }
0x33: {  	s30 =	smov.u32 s28;
	s26 =	smov.u32 s29;
	p0 =	sne.s32 s28, $0x7C0  }
.Ltmp3:
0x34: {  	s28 =	sadd.s32 $0x10, s28;
	(pc) =	sbr.rel @p0 .LBB2_9-.Ltmp3, $2  }
0x35: {  	_ =	sdelay $0x2  }
0x36: {  	s29 =	sadd.s32 $0x100, s29;
	s30 =	sadd.s32 s30, s25  }
0x37: {  	[tilespmem:s26], [sflag:$0x1] =	stream.linear.gather [hbm4b:s30+s2], $0x80, $0x38;
	[tilespmem:$0x7F80] =	vst v63  }
0x38: {  	s25 =	simm.s32 $0x0;
	_ =	swait.ge [sflag:s17], $0x3E80  }
0x39: {  	s31 =	sand.u32 $0x60, s25;
	s28 =	sand.u32 $0x7F00, s25;
	[sflag:s17] =	ssyncset.done $0x0  }
0x3a: {  	s28 =	sor.u32 s31, s28;
	[sflag:s17] =	ssyncadd.s32 $0xFFFFC180  }
0x3b: {  	v2 =	vld [tilespmem:s28+$0x90]  }
0x3c: {  	s26 =	simm.s32 $0x20;
	v3 =	vld [tilespmem:s28+$0x80]  }
.LBB2_11:
0x3d: {  	p0 =	sne.s32 s26, $0x3E60  }
.Ltmp4:
0x3e: {  	s28 =	sand.u32 $0x60, s26;
	s25 =	sadd.s32 $0x40, s25;
	(pc) =	sbr.rel @p0 .LBB2_11-.Ltmp4, $4  }
0x3f: {  	s26 =	sadd.s32 $0x20, s26;
	s29 =	sand.u32 $0x7F00, s25  }
0x40: {  	s28 =	sor.u32 s28, s29;
	v0 =	vadd.f32 v2, v0  }
0x41: {  	v2 =	vld [tilespmem:s28+$0x90];
	v1 =	vadd.f32 v3, v1  }
0x42: {  	v3 =	vld [tilespmem:s28+$0x80]  }
0x43: {  	_ = 	snop  }
0x44: {  	s24 =	sadd.s32 s24, s8  }
0x45: {  	s24 =	sshrl.u32 s24, $0x3  }
0x46: {  	s25 =	simm.s32 $0x80;
	s24 =	sadd.s32 s3, s24  }
0x47: {  	s26 =	simm.s32 $0x10;
	s28 =	simm.s32 $0x180;
	v0 =	vadd.f32 v2, v0;
	s29 =	sadd.s32 $0x0, s24;
	v1 =	vadd.f32 v3, v1  }
.LBB2_13:
0x48: {  	[tilespmem:s25], [sflag:$0x2] =	stream.linear.gather [hbm4b:s29+s2], $0x80, $0x38;
	[tilespmem:$0x7F80] =	vst v63  }
0x49: {  	s29 =	smov.u32 s26;
	s25 =	smov.u32 s28;
	p0 =	sne.s32 s26, $0x7C0  }
.Ltmp5:
0x4a: {  	s26 =	sadd.s32 $0x10, s26;
	(pc) =	sbr.rel @p0 .LBB2_13-.Ltmp5, $2  }
0x4b: {  	_ =	sdelay $0x2  }
0x4c: {  	s28 =	sadd.s32 $0x100, s28;
	s29 =	sadd.s32 s29, s24  }
0x4d: {  	s23 =	sadd.s32 $0x1, s23  }
0x4e: {  	p0 =	sne.s32 s23, $0x31  }
.Ltmp6:
0x4f: {  	_ = 	snop;
	(pc) =	sbr.rel @p0 .LBB2_6-.Ltmp6, $2  }
0x50: {  	_ =	sdelay $0x2  }
0x51: {  	[tilespmem:s25], [sflag:$0x2] =	stream.linear.gather [hbm4b:s29+s2], $0x80, $0x38;
	[tilespmem:$0x7F80] =	vst v63  }
0x52: {  	_ =	swait.ge [sflag:s16], $0x3E80;
	s23 =	simm.s32 $0x0  }
0x53: {  	[sflag:s16] =	ssyncset.done $0x0;
	s24 =	sand.u32 $0x60, s23;
	s25 =	sand.u32 $0x7F00, s23  }
0x54: {  	[sflag:s16] =	ssyncadd.s32 $0xFFFFC180;
	s25 =	sor.u32 s24, s25  }
0x55: {  	v2 =	vld [tilespmem:s25+$0x10]  }
0x56: {  	s24 =	simm.s32 $0x20;
	v3 =	vld [tilespmem:s25+$0x0]  }
.LBB2_16:
0x57: {  	p0 =	sne.s32 s24, $0x3E60  }
.Ltmp7:
0x58: {  	s25 =	sand.u32 $0x60, s24;
	s23 =	sadd.s32 $0x40, s23;
	(pc) =	sbr.rel @p0 .LBB2_16-.Ltmp7, $4  }
0x59: {  	s24 =	sadd.s32 $0x20, s24;
	s26 =	sand.u32 $0x7F00, s23  }
0x5a: {  	s25 =	sor.u32 s25, s26;
	v0 =	vadd.f32 v2, v0  }
0x5b: {  	v2 =	vld [tilespmem:s25+$0x10];
	v1 =	vadd.f32 v3, v1  }
0x5c: {  	v3 =	vld [tilespmem:s25+$0x0]  }
0x5d: {  	_ =	swait.ge [sflag:s17], $0x3E80;
	s23 =	simm.s32 $0x0  }
0x5e: {  	[sflag:s17] =	ssyncset.done $0x0;
	s24 =	sand.u32 $0x60, s23;
	s25 =	sand.u32 $0x7F00, s23  }
0x5f: {  	[sflag:s17] =	ssyncadd.s32 $0xFFFFC180;
	s25 =	sor.u32 s24, s25  }
0x60: {  	v4 =	vld [tilespmem:s25+$0x90]  }
0x61: {  	s24 =	simm.s32 $0x20;
	v0 =	vadd.f32 v2, v0;
	v2 =	vld [tilespmem:s25+$0x80];
	v1 =	vadd.f32 v3, v1  }
.LBB2_18:
0x62: {  	p0 =	sne.s32 s24, $0x3E60  }
.Ltmp8:
0x63: {  	s25 =	sand.u32 $0x60, s24;
	s23 =	sadd.s32 $0x40, s23;
	(pc) =	sbr.rel @p0 .LBB2_18-.Ltmp8, $4  }
0x64: {  	s24 =	sadd.s32 $0x20, s24;
	s26 =	sand.u32 $0x7F00, s23  }
0x65: {  	s25 =	sor.u32 s25, s26;
	v0 =	vadd.f32 v4, v0  }
0x66: {  	v4 =	vld [tilespmem:s25+$0x90];
	v1 =	vadd.f32 v2, v1  }
0x67: {  	v2 =	vld [tilespmem:s25+$0x80]  }
0x68: {  	_ =	sdelay $0x2  }
0x69: {  	v0 =	vadd.f32 v4, v0  }
0x6a: {  	v1 =	vadd.f32 v2, v1  }
0x6b: {  	[tilespmem:$0x7E80] =	vst v0  }
0x6c: {  	[tilespmem:$0x7E00] =	vst v1  }
0x6d: {  	[hbm4b:s9+s2] =	stream.linear.scatter [tilespmem:s18], [sflag:$0x5], $0x100, $0x38;
	[tilespmem:$0x7F80] =	vst v63  }
0x6e: {  	_ =	swait.ge [sflag:s19], $0x100  }
0x6f: {  	[sflag:s19] =	ssyncset.done $0x0  }
0x70: {  	[sflag:s19] =	ssyncadd.s32 $0xFFFFFF00  }
0x71: {  	_ =	swait.ge [sflag:s20], $0x10  }
0x72: {  	[sflag:s20] =	ssyncset.done $0x0  }
0x73: {  	[sflag:s20] =	ssyncadd.s32 $0xFFFFFFF0  }
0x74: {  	v63 =	vld [tilespmem:$0x7D80];
	_ =	sdelay $0x2  }
0x75: {  	s22 =	sadd.s32 $0x1, s22  }
0x76: {  	p0 =	sne.s32 s22, s11  }
.Ltmp9:
0x77: {  	[tilespmem:$0x7F00] =	vst v63;
	(pc) =	sbr.rel @p0 .LBB2_1-.Ltmp9, $4  }
0x78: {  	[hbm4b:s10+s2] =	stream.linear.scatter [tilespmem:s21], [sflag:$0x5], $0x80, $0x38;
	[tilespmem:$0x7F80] =	vst v63  }
0x79: {  	_ =	swait.ge [sflag:s19], $0x80  }
0x7a: {  	[sflag:s19] =	ssyncset.done $0x0  }
0x7b: {  	[sflag:s19] =	ssyncadd.s32 $0xFFFFFF80  }
0x7c: {  	_ =	sfence.sel $0x180000  }
0x7d: {  	[bflag:$0x0] =	sbarrier.arrive $0xFFFF  }
0x7e: {  	p0 =	sne.s32 s1, $0x0;
	_ =	strace $0x90000047  }
0x7f: {  	s0 =	sadd.s32 @!p0 $0x100000, s0;
	[bflag:$0x2] =	sbarrier.arrive $0xFFFF  }
0x80: {  	[sflag:s0] =	ssyncadd.tile.s32 @!p0 $0x1;
	_ =	shalt  }
.Lfunc_end2:
_tile_overlayer_lowered:
.L_overlay_start_2:
0x81: {  	(tag) =	ssettag $0x2  }
0x82: {  	s0 =	rddreg [dreg:$0x0];
	s2 =	stileid.u32  }
0x83: {  	s1 =	rddreg [dreg:$0x1];
	p0 =	sne.s32 s2, $0x0  }
0x84: {  	s3 =	rddreg [dreg:$0x2];
	[bflag:$0x3] =	sbarrier.arrive $0xFFFF;
	s2 =	simm.s32 @!p0 $0x1C05  }
0x85: {  	[timem:s3], [sflag:s2] =	dma.local @!p0 [hbm:s0], s1  }
0x86: {  	s0 =	simm.s32 @!p0 $0x5  }
0x87: {  	_ =	swait.ge @!p0 [sflag:s0], s1  }
0x88: {  	s1 =	ssub.s32 @!p0 $0x0, s1;
	[sflag:s0] =	ssyncset.done @!p0 $0x0  }
0x89: {  	[sflag:s0] =	ssyncadd.s32 @!p0 s1  }
0x8a: {  	[bflag:$0x3] =	sbarrier.arrive $0xFFFF  }
0x8b: {  	_ =	shalt  }

</sc_bundles>
